<compile_context>
chip_gen: v7x
topology: tpu7x:2x2x1
jax: 0.10.2.dev20260603
libtpu: 0.0.44.dev20260713+nightly
codegen_flags: <defaults>
</compile_context>

<pallas_src>
import functools

import jax
import jax.numpy as jnp
from jax import lax
from jax.experimental import pallas as pl
from jax.experimental.pallas import tpu as pltpu
from jax.experimental.pallas import tpu_sc as plsc

ALPHA = 4

_NC = 2
_NS = 16
_NW = _NC * _NS


def kernel(frames):
    C, T, H, W = frames.shape
    n_slow = T // ALPHA
    idx = jnp.linspace(0.0, float(T - 1), n_slow).astype(jnp.int32)

    SPLIT = 16
    row_len = H * W // SPLIT
    src_rows = C * T * SPLIT
    out_rows = C * n_slow * SPLIT
    rpw = out_rows // _NW

    c_arr = jnp.arange(C, dtype=jnp.int32)[:, None, None]
    k_arr = jnp.arange(SPLIT, dtype=jnp.int32)[None, None, :]
    row_idx = ((c_arr * T + idx[None, :, None]) * SPLIT + k_arr).reshape(-1)

    src = frames.reshape(src_rows, row_len)

    mesh = plsc.VectorSubcoreMesh(core_axis_name="c", subcore_axis_name="s")

    @functools.partial(
        pl.kernel,
        mesh=mesh,
        out_type=jax.ShapeDtypeStruct((out_rows, row_len), frames.dtype),
        scratch_types=[
            pltpu.VMEM((rpw,), jnp.int32),
            pltpu.VMEM((rpw, row_len), frames.dtype),
            pltpu.SemaphoreType.DMA,
        ],
    )
    def sc_gather(src_hbm, idx_hbm, out_hbm, idx_v, rows_v, sem):
        wid = lax.axis_index("s") * _NC + lax.axis_index("c")
        base = wid * rpw
        pltpu.sync_copy(idx_hbm.at[pl.ds(base, rpw)], idx_v)
        pltpu.async_copy(src_hbm.at[idx_v], rows_v, sem).wait()
        pltpu.sync_copy(rows_v, out_hbm.at[pl.ds(base, rpw)])

    slow = sc_gather(src, row_idx).reshape(C, n_slow, H, W)
    return (slow, frames)

# --- scband reference (transcript-rebuilt; emitter-appended) ---
"""Pipeline reference for scband-pack-pathway-3298534883627 (READ-ONLY COPY).

The authoritative reference and input builder live on the scoring server;
editing this copy changes nothing except your own understanding.
"""

import jax, jax.numpy as jnp
import numpy as np

ALPHA = 4

def setup_inputs(seed: int = 0) -> dict:
    key = jax.random.key(seed)
    frames = jax.random.normal(key, (3, 64, 256, 256), dtype=jnp.float32)
    return {"frames": frames}

def reference(frames):
    # PackPathway.forward: fast pathway is the full clip; slow pathway subsamples
    # the temporal axis (dim=1) by factor alpha via linspace + truncating cast,
    # exactly matching torch.linspace(0, T-1, T//alpha).long().
    T = frames.shape[1]
    n_slow = T // ALPHA
    idx = jnp.linspace(0.0, float(T - 1), n_slow).astype(jnp.int32)
    slow_pathway = jnp.take(frames, idx, axis=1)
    fast_pathway = frames
    return (slow_pathway, fast_pathway)

if __name__ == "__main__":
    import jax
    _d = setup_inputs()
    print(jax.jit(kernel)(*tuple(_d.values())))

</pallas_src>

<mosaic_0001>
#map = affine_map<(d0, d1) -> (0, 0)>
#map1 = affine_map<(d0, d1) -> (0)>
module attributes {stable_mosaic.version = 14 : i64} {
  func.func @sc_gather(%arg0: i32, %arg1: i32, %arg2: memref<3072x4096xf32, #tpu.memory_space<hbm>>, %arg3: memref<768xi32, #tpu.memory_space<hbm>>, %arg4: memref<768x4096xf32, #tpu.memory_space<hbm>>, %arg5: memref<24xi32, #tpu.memory_space<vmem>>, %arg6: memref<24x4096xf32, #tpu.memory_space<vmem>>, %arg7: memref<!tpu.dma_semaphore, #tpu.memory_space<semaphore_mem>>) attributes {dimension_semantics = [#tpu.dimension_semantics<core_parallel>, #tpu.dimension_semantics<subcore_parallel>], iteration_bounds = array<i64: 2, 16>, scalar_prefetch = 0 : i64, scratch_operands = 3 : i64, tpu.core_type = #tpu.core_type<sc_vector_subcore>, window_params = [{transform_indices = #map}, {transform_indices = #map1}, {transform_indices = #map}]} {
    %mul3A = arith.constant 2 : i32
    %mul3A_0 = arith.muli %arg1, %mul3A : i32
    %add3A = arith.addi %mul3A_0, %arg0 : i32
    %mul3A_1 = arith.constant 24 : i32
    %mul3A_2 = arith.muli %add3A, %mul3A_1 : i32
    "tpu.region"() ({
      %run_scoped3A = tpu.sem_alloc : memref<!tpu.dma_semaphore, #tpu.memory_space<semaphore_mem>>
      %dma_start3A_7 = tpu.memref_slice %arg3[%mul3A_2] : memref<768xi32, #tpu.memory_space<hbm>> -> memref<24xi32, #tpu.memory_space<hbm>>
      %dma_start3A_8 = tpu.memref_slice %arg3[%mul3A_2] : memref<768xi32, #tpu.memory_space<hbm>> -> memref<24xi32, #tpu.memory_space<hbm>>
      tpu.enqueue_dma source(%dma_start3A_8 : memref<24xi32, #tpu.memory_space<hbm>>) target(%arg5 : memref<24xi32, #tpu.memory_space<vmem>>) target_semaphore(%run_scoped3A : memref<!tpu.dma_semaphore, #tpu.memory_space<semaphore_mem>>)
      %dma_wait3A_9 = tpu.memref_slice %arg3[%mul3A_2] : memref<768xi32, #tpu.memory_space<hbm>> -> memref<24xi32, #tpu.memory_space<hbm>>
      %dma_wait3A_10 = tpu.memref_slice %arg3[%mul3A_2] : memref<768xi32, #tpu.memory_space<hbm>> -> memref<24xi32, #tpu.memory_space<hbm>>
      tpu.wait_dma2 semaphore(%run_scoped3A : memref<!tpu.dma_semaphore, #tpu.memory_space<semaphore_mem>>) src(%dma_wait3A_10 : memref<24xi32, #tpu.memory_space<hbm>>) dst(%arg5 : memref<24xi32, #tpu.memory_space<vmem>>)
      tpu.yield
    }) : () -> ()
    %dma_start3A = arith.constant 0 : i32
    %dma_start3A_3 = arith.constant 0 : i32
    %dma_start3A_4 = tpu.memref_slice %arg2[%dma_start3A, %dma_start3A_3] : memref<3072x4096xf32, #tpu.memory_space<hbm>> -> memref<3072x4096xf32, #tpu.memory_space<hbm>>
    tpu.enqueue_indirect_dma source(%dma_start3A_4 : memref<3072x4096xf32, #tpu.memory_space<hbm>>) target(%arg6 : memref<24x4096xf32, #tpu.memory_space<vmem>>) offsets(%arg5 : memref<24xi32, #tpu.memory_space<vmem>>) semaphore(%arg7 : memref<!tpu.dma_semaphore, #tpu.memory_space<semaphore_mem>>)
    %dma_wait3A = arith.constant 0 : i32
    %dma_wait3A_5 = arith.constant 0 : i32
    %dma_wait3A_6 = tpu.memref_slice %arg2[%dma_wait3A, %dma_wait3A_5] : memref<3072x4096xf32, #tpu.memory_space<hbm>> -> memref<3072x4096xf32, #tpu.memory_space<hbm>>
    tpu.wait_indirect_dma semaphore(%arg7 : memref<!tpu.dma_semaphore, #tpu.memory_space<semaphore_mem>>) src(%dma_wait3A_6 : memref<3072x4096xf32, #tpu.memory_space<hbm>>) dst(%arg6 : memref<24x4096xf32, #tpu.memory_space<vmem>>)
    "tpu.region"() ({
      %run_scoped3A = tpu.sem_alloc : memref<!tpu.dma_semaphore, #tpu.memory_space<semaphore_mem>>
      %dma_start3A_7 = arith.constant 0 : i32
      %dma_start3A_8 = tpu.memref_slice %arg4[%mul3A_2, %dma_start3A_7] : memref<768x4096xf32, #tpu.memory_space<hbm>> -> memref<24x4096xf32, #tpu.memory_space<hbm>>
      %dma_start3A_9 = arith.constant 0 : i32
      %dma_start3A_10 = tpu.memref_slice %arg4[%mul3A_2, %dma_start3A_9] : memref<768x4096xf32, #tpu.memory_space<hbm>> -> memref<24x4096xf32, #tpu.memory_space<hbm>>
      tpu.enqueue_dma source(%arg6 : memref<24x4096xf32, #tpu.memory_space<vmem>>) target(%dma_start3A_10 : memref<24x4096xf32, #tpu.memory_space<hbm>>) target_semaphore(%run_scoped3A : memref<!tpu.dma_semaphore, #tpu.memory_space<semaphore_mem>>)
      %dma_wait3A_11 = arith.constant 0 : i32
      %dma_wait3A_12 = tpu.memref_slice %arg4[%mul3A_2, %dma_wait3A_11] : memref<768x4096xf32, #tpu.memory_space<hbm>> -> memref<24x4096xf32, #tpu.memory_space<hbm>>
      %dma_wait3A_13 = arith.constant 0 : i32
      %dma_wait3A_14 = tpu.memref_slice %arg4[%mul3A_2, %dma_wait3A_13] : memref<768x4096xf32, #tpu.memory_space<hbm>> -> memref<24x4096xf32, #tpu.memory_space<hbm>>
      tpu.wait_dma2 semaphore(%run_scoped3A : memref<!tpu.dma_semaphore, #tpu.memory_space<semaphore_mem>>) src(%arg6 : memref<24x4096xf32, #tpu.memory_space<vmem>>) dst(%dma_wait3A_14 : memref<24x4096xf32, #tpu.memory_space<hbm>>)
      tpu.yield
    }) : () -> ()
    return
  }
}

</mosaic_0001>

<sc_bundles>
// kernel: kernel.3.cloned.1.call-start
scs
__scs_entry_jumppad:
0x0: {  	(pc) =	sbr.rel $0x88, $3  }
0x1: {  	(tag) =	ssettag $0x0;
	lr =	simm.s32 $0x1  }
0x2: {  	[smem:$0x3FA0] =	sst lr;
	_ =	strace $0xD0000000  }
0x3: {  	_ = 	snop  }
0x4: {  	_ = 	snop  }
0x5: {  	_ = 	snop  }
0x6: {  	_ = 	snop  }
0x7: {  	_ = 	snop  }
__scs_overlays_trampoline_lowered:
0x8: {  	[smem:$0x3FAF] =	sst s0  }
0x9: {  	[smem:$0x3FB0] =	sst s1  }
0xa: {  	[smem:$0x3FB1] =	sst s2  }
0xb: {  	[smem:$0x3FB2] =	sst s3  }
0xc: {  	[smem:$0x3FB3] =	sst s4  }
0xd: {  	[smem:$0x3FB4] =	sst s5  }
0xe: {  	[smem:$0x3FB5] =	sst s6  }
0xf: {  	[smem:$0x3FB6] =	sst s7  }
0x10: {  	[smem:$0x3FB7] =	sst s8  }
0x11: {  	[smem:$0x3FB8] =	sst s9;
	s0 =	simm.s32 @!p0 $0x0  }
0x12: {  	s1 =	sld [smem:$0x3F9E];
	s0 =	simm.s32 @p0 $0x1  }
0x13: {  	[smem:$0x3FB9] =	sst s0;
	s0 =	simm.s32 @!p1 $0x0  }
0x14: {  	s2 =	sld [smem:$0x3F9D];
	s0 =	simm.s32 @p1 $0x1  }
0x15: {  	[smem:$0x3FBA] =	sst s0;
	s0 =	simm.s32 @!p2 $0x0  }
0x16: {  	s3 =	sld [smem:$0x3FDB];
	s0 =	simm.s32 @p2 $0x1  }
0x17: {  	s4 =	simm.s32 $0x1BF5;
	[smem:$0x3FBC] =	sst s0  }
0x18: {  	s0 =	sld [smem:$0x3F9F];
	_ =	swait.ge [sflag:s4], $0x0  }
0x19: {  	s7 =	sld [smem:$0x3FA0]  }
0x1a: {  	s8 =	sadd.s32 $0xFFFFE003, lr  }
0x1b: {  	s9 =	sadd.s32 $0xFFFFFEF7, lr;
	s5 =	simm.s32 $0xFFFFFFFF;
	p2 =	slt.u32 s8, $0xFFFFF086  }
0x1c: {  	p1 =	slt.u32 s9, $0xF7A;
	s5 =	simm.s32 @!p2 $0x0  }
0x1d: {  	s5 =	simm.s32 @p1 $0x1;
	p0 =	seq.s32 s7, s2  }
0x1e: {  	s7 =	smul.u32 @!p0 $0xF7A, s2;
	p2 =	seq.s32 @!p0 s5, $0x0  }
0x1f: {  	s9 =	smul.u32 $0xF7A, s1;
	s8 =	simm.s32 @!p0 $0x1BF5;
	p2 =	por !p2, p0  }
0x20: {  	[sflag:s8] =	ssyncset.s32 @!p0 $0xFFFFF086;
	s6 =	sadd.s32 @!p0 s3, s7;
	s7 =	simm.s32 @!p0 $0x108  }
0x21: {  	s3 =	sadd.s32 s3, s9;
	s6 =	sadd.s32 @!p0 $0x88, s6;
	s7 =	simm.s32 @p2 $0x1082  }
0x22: {  	[simem:s7], [sflag:s8] =	dma.local @!p0 [hbm:s6], $0xF7A  }
0x23: {  	s9 =	sor.u32 $0xD0000000, s2;
	s6 =	simm.s32 $0x108;
	_ =	swait.ge @!p0 [sflag:s8], $0x0  }
0x24: {  	s3 =	sadd.s32 $0x88, s3;
	s6 =	simm.s32 @!p1 $0x1082;
	[sflag:s4] =	ssyncset.s32 $0xFFFFF086  }
0x25: {  	[simem:s6], [sflag:s4] =	dma.local [hbm:s3], $0xF7A  }
0x26: {  	[smem:$0x3FA0] =	sst s1;
	(tag) =	ssettag s2;
	_ =	strace s9  }
0x27: {  	s1 =	sld [smem:$0x3FB0]  }
0x28: {  	s2 =	sld [smem:$0x3FB1]  }
0x29: {  	s4 =	sld [smem:$0x3FB3]  }
0x2a: {  	p0 =	seq.s32 s5, $0x0;
	s5 =	sld [smem:$0x3FB4]  }
0x2b: {  	s6 =	sld [smem:$0x3FB5]  }
0x2c: {  	s7 =	sld [smem:$0x3FB6]  }
0x2d: {  	s3 =	simm.s32 $0x108;
	s8 =	sld [smem:$0x3FB7]  }
0x2e: {  	s3 =	simm.s32 @!p0 $0x1082;
	s9 =	sld [smem:$0x3FB8]  }
0x2f: {  	lr =	sadd.s32 s0, s3;
	s0 =	sld [smem:$0x3FAF]  }
0x30: {  	s3 =	sld [smem:$0x3FB2]  }
0x31: {  	[smem:$0x3FBB] =	sst s10  }
0x32: {  	s10 =	sld [smem:$0x3FB9];
	_ =	sdelay $0x3  }
0x33: {  	p0 =	seq.s32 s10, $0x1;
	s10 =	sld [smem:$0x3FBB];
	_ =	sdelay $0x3  }
0x34: {  	[smem:$0x3FBB] =	sst s10  }
0x35: {  	s10 =	sld [smem:$0x3FBA];
	_ =	sdelay $0x3  }
0x36: {  	p1 =	seq.s32 s10, $0x1;
	s10 =	sld [smem:$0x3FBB];
	_ =	sdelay $0x3  }
0x37: {  	[smem:$0x3FBB] =	sst s10  }
0x38: {  	s10 =	sld [smem:$0x3FBC]  }
0x39: {  	_ = 	snop;
	(pc) =	sbr.ind lr, $3  }
0x3a: {  	_ = 	snop  }
0x3b: {  	_ = 	snop  }
0x3c: {  	p2 =	seq.s32 s10, $0x1;
	s10 =	sld [smem:$0x3FBB]  }
0x3d: {  	_ =	shalt  }
0x3e: {  	_ =	shalt  }
0x3f: {  	_ =	shalt  }
0x40: {  	_ =	shalt  }
0x41: {  	_ =	shalt  }
0x42: {  	_ =	shalt  }
0x43: {  	_ =	shalt  }
0x44: {  	_ =	shalt  }
0x45: {  	_ =	shalt  }
0x46: {  	_ =	shalt  }
0x47: {  	_ =	shalt  }
0x48: {  	_ =	shalt  }
0x49: {  	_ =	shalt  }
0x4a: {  	_ =	shalt  }
0x4b: {  	_ =	shalt  }
0x4c: {  	_ =	shalt  }
0x4d: {  	_ =	shalt  }
0x4e: {  	_ =	shalt  }
0x4f: {  	_ =	shalt  }
0x50: {  	_ =	shalt  }
0x51: {  	_ =	shalt  }
0x52: {  	_ =	shalt  }
0x53: {  	_ =	shalt  }
0x54: {  	_ =	shalt  }
0x55: {  	_ =	shalt  }
0x56: {  	_ =	shalt  }
0x57: {  	_ =	shalt  }
0x58: {  	_ =	shalt  }
0x59: {  	_ =	shalt  }
0x5a: {  	_ =	shalt  }
0x5b: {  	_ =	shalt  }
0x5c: {  	_ =	shalt  }
0x5d: {  	_ =	shalt  }
0x5e: {  	_ =	shalt  }
0x5f: {  	_ =	shalt  }
0x60: {  	_ =	shalt  }
0x61: {  	_ =	shalt  }
0x62: {  	_ =	shalt  }
0x63: {  	_ =	shalt  }
0x64: {  	_ =	shalt  }
0x65: {  	_ =	shalt  }
0x66: {  	_ =	shalt  }
0x67: {  	_ =	shalt  }
0x68: {  	_ =	shalt  }
0x69: {  	_ =	shalt  }
0x6a: {  	_ =	shalt  }
0x6b: {  	_ =	shalt  }
0x6c: {  	_ =	shalt  }
0x6d: {  	_ =	shalt  }
0x6e: {  	_ =	shalt  }
0x6f: {  	_ =	shalt  }
0x70: {  	_ =	shalt  }
0x71: {  	_ =	shalt  }
0x72: {  	_ =	shalt  }
0x73: {  	_ =	shalt  }
0x74: {  	_ =	shalt  }
0x75: {  	_ =	shalt  }
0x76: {  	_ =	shalt  }
0x77: {  	_ =	shalt  }
0x78: {  	_ =	shalt  }
0x79: {  	_ =	shalt  }
0x7a: {  	_ =	shalt  }
0x7b: {  	_ =	shalt  }
0x7c: {  	_ =	shalt  }
0x7d: {  	_ =	shalt  }
0x7e: {  	_ =	shalt  }
0x7f: {  	_ =	shalt  }
0x80: {  	_ =	shalt  }
0x81: {  	_ =	shalt  }
0x82: {  	_ =	shalt  }
0x83: {  	_ =	shalt  }
0x84: {  	_ =	shalt  }
0x85: {  	_ =	shalt  }
0x86: {  	_ =	shalt  }
0x87: {  	_ =	shalt  }
.Lfunc_end0:
.L_simem_size_0:
called_computation_lowered:
.L_overlay_start_0:
0x88: {  	s2 =	sld [smem:$0x3FD9]  }
0x89: {  	s3 =	sld [smem:$0x3FFE];
	_ =	sdelay $0x1  }
0x8a: {  	s1 =	srdreg.scid  }
0x8b: {  	s0 =	sand.u32 $0x1, s1  }
0x8c: {  	s14 =	sshll.u32 s0, $0xA;
	s2 =	sadd.s32 s3, s2  }
0x8d: {  	s2 =	sadd.s32 s2, s14  }
0x8e: {  	[smem:$0x3FC7] =	sst s2  }
0x8f: {  	_ = 	snop  }
0x90: {  	s2 =	sld [smem:$0x3FD0];
	_ =	sdelay $0x2  }
0x91: {  	s15 =	simm.s32 $0xA;
	s4 =	simm.s32 $0x10  }
0x92: {  	[smem:s4], [sflag:s15] =	dma.local [hbm:s2], $0x1  }
0x93: {  	_ =	swait.eq [sflag:s15], $0x1  }
0x94: {  	[sflag:s15] =	ssyncset.done $0x0  }
0x95: {  	s16 =	sld [smem:$0x10];
	[sflag:s15] =	ssyncadd.s32 $0xFFFFFFFF  }
0x96: {  	s17 =	sld [smem:$0x11];
	(tm) =	ssettm $0x1  }
0x97: {  	s18 =	sld [smem:$0x3FFB];
	_ =	sdelay $0x3  }
0x98: {  	_ =	strace s18  }
0x99: {  	s4 =	sld [smem:$0x3FFC];
	_ =	sdelay $0x3  }
0x9a: {  	_ =	strace s4  }
0x9b: {  	s4 =	sld [smem:$0x3FFD];
	_ =	sdelay $0x3  }
0x9c: {  	_ =	strace s4  }
0x9d: {  	_ =	strace $0x8FFFFFFF  }
0x9e: {  	s19 =	sld [smem:$0x3FDB];
	_ =	sdelay $0x1  }
0x9f: {  	s5 =	simm.s32 $_scs_section_size  }
0xa0: {  	s6 =	simm.s32 $_size__tile_overlayer_lowered;
	s7 =	simm.s32 $_tile_overlayer_lowered  }
0xa1: {  	s22 =	simm.s32 $0x1BFF;
	s21 =	sshll.u32 s7, $0x1;
	s4 =	sadd.s32 s5, s19  }
0xa2: {  	s8 =	simm.s32 $0x0;
	s20 =	sshll.u32 s6, $0x1;
	s6 =	sadd.s32 s21, s4  }
0xa3: {  	[timem:s8], [sflag:s22] =	dma.local [hbm:s6], s20  }
0xa4: {  	_ =	swait.ge [sflag:s22], s20  }
0xa5: {  	s5 =	ssub.s32 $0x0, s20;
	[sflag:s22] =	ssyncset.done $0x0  }
0xa6: {  	[sflag:s22] =	ssyncadd.s32 s5;
	_ =	sdelay $0x1  }
0xa7: {  	s23 =	simm.s32 $0x1B8B  }
0xa8: {  	_ =	swait.ge [sflag:s23], $0x1  }
0xa9: {  	[sflag:s23] =	ssyncset.done $0x0  }
0xaa: {  	s25 =	simm.s32 $0x1B8E;
	s24 =	sld [smem:$0x3FFE];
	[sflag:s23] =	ssyncadd.s32 $0xFFFFFFFF  }
0xab: {  	s26 =	simm.s32 $execute0_lowered;
	[smem:$0x3FD2] =	sst s25  }
0xac: {  	s6 =	sshll.u32 s26, $0x1;
	_ =	strace $0x80000046;
	[dreg:$0x1] =	wrdreg $0xFFFFFFFF  }
0xad: {  	s28 =	simm.s32 $_size_execute0_lowered;
	s4 =	sadd.s32 s4, s6;
	[dreg:$0x0] =	wrdreg $0x0  }
0xae: {  	s6 =	sshll.u32 s28, $0x1;
	[dreg:$0x2] =	wrdreg s4  }
0xaf: {  	[dreg:$0x3] =	wrdreg s6  }
0xb0: {  	[dreg:$0x4] =	wrdreg $0xC0  }
0xb1: {  	_ =	task [dreg:s8], $0x5FFFF  }
0xb2: {  	[dreg:$0x1] =	wrdreg $0xFFFFFFFF  }
0xb3: {  	[dreg:$0x0] =	wrdreg $0x60  }
0xb4: {  	[dreg:$0x2] =	wrdreg s17  }
0xb5: {  	[dreg:$0x3] =	wrdreg s16  }
0xb6: {  	[dreg:$0x4] =	wrdreg s24  }
0xb7: {  	[dreg:$0x5] =	wrdreg $0x9  }
0xb8: {  	_ =	task.clear_ibuf [dreg:s8], $0x6FFFF;
	_ =	strace $0x90000046  }
0xb9: {  	s29 =	simm.s32 $0x9;
	_ =	strace $0x80000048  }
0xba: {  	_ =	swait.ge [sflag:s29], $0x1  }
0xbb: {  	[sflag:s29] =	ssyncadd.s32 $0xFFFFFFFF  }
0xbc: {  	_ =	strace $0x90000048  }
0xbd: {  	_ =	sfence  }
0xbe: {  	s30 =	sld [smem:$0x0];
	_ =	sdelay $0x2  }
0xbf: {  	s31 =	sshll.u32 s1, $0xD;
	s1 =	sshrl.u32 s1, $0x2  }
0xc0: {  	s3 =	sand.u32 $0x4000, s31;
	s1 =	sadd.s32 s1, s30  }
0xc1: {  	s0 =	sor.u32 s3, s0;
	s1 =	sshll.u32 s1, $0x11  }
0xc2: {  	s0 =	sor.u32 s1, s0  }
0xc3: {  	s0 =	sadd.s32 $0x8F2B, s0  }
0xc4: {  	[sflag:s0] =	ssyncadd.remote.s32 $0x1  }
0xc5: {  	_ =	sfence.sel $0xFFFF  }
0xc6: {  	[dreg:$0x0] =	wrdreg $0xFFFFFFFF;
	(pc) =	sbr.abs _section_cstart, $3  }
0xc7: {  	[dreg:$0x1] =	wrdreg $0xFFFFFFFF  }
0xc8: {  	_ =	task.clear_ibuf [dreg:s8], $0x2FFFF;
	_ =	strace $0x9FFFFFFF  }
0xc9: {  	(tm) =	ssettm $0x7FFFFFFF  }
tec
execute0_lowered:
.L_overlay_start_1:
0x0: {  	(tag) =	ssettag $0x1  }
0x1: {  	s2 =	srdreg.scid  }
0x2: {  	s0 =	stileid.u32;
	s1 =	rddreg [dreg:$0x0]  }
0x3: {  	s4 =	rddreg [dreg:$0x1];
	s2 =	sand.u32 $0x1, s2;
	s3 =	sshll.u32 s0, $0x1  }
0x4: {  	s6 =	rddreg [dreg:$0x2];
	s5 =	sor.u32 s2, s3;
	s3 =	simm.s32 $0x0  }
0x5: {  	s24 =	simm.s32 $0x880;
	[smem:$0x7FF] =	sst s3  }
0x6: {  	s25 =	simm.s32 $0x1080;
	_ =	strace $0x80000047;
	[dreg:$0x6] =	wrdreg s24  }
0x7: {  	s26 =	simm.s32 $0x1880;
	[dreg:$0x7] =	wrdreg s25  }
0x8: {  	s0 =	simm.s32 $0x2080;
	[dreg:$0x8] =	wrdreg s26  }
0x9: {  	s8 =	simm.s32 $0x4080;
	[dreg:$0x9] =	wrdreg s0  }
0xa: {  	s9 =	simm.s32 $0x4880;
	[dreg:$0xd] =	wrdreg s8  }
0xb: {  	s10 =	simm.s32 $0x5080;
	[dreg:$0xe] =	wrdreg s9  }
0xc: {  	s11 =	simm.s32 $0x5880;
	[dreg:$0xf] =	wrdreg s10  }
0xd: {  	s12 =	simm.s32 $0x6080;
	[dreg:$0x10] =	wrdreg s11  }
0xe: {  	s13 =	simm.s32 $0x6880;
	s14 =	simm.s32 $0x7080;
	[dreg:$0x11] =	wrdreg s12  }
0xf: {  	s15 =	simm.s32 $0x7880;
	s16 =	simm.s32 $0x8080;
	[dreg:$0x12] =	wrdreg s13  }
0x10: {  	s17 =	simm.s32 $0x8880;
	s18 =	simm.s32 $0x9080;
	[dreg:$0x13] =	wrdreg s14  }
0x11: {  	s19 =	simm.s32 $0x9880;
	s21 =	simm.s32 $0xA080;
	[dreg:$0x14] =	wrdreg s15  }
0x12: {  	s22 =	simm.s32 $0xA880;
	s28 =	simm.s32 $0x16080;
	[dreg:$0x15] =	wrdreg s16  }
0x13: {  	s29 =	simm.s32 $0x16880;
	s30 =	simm.s32 $0x17080;
	[dreg:$0x16] =	wrdreg s17  }
0x14: {  	s31 =	simm.s32 $0x17880;
	s2 =	ssub.s32 $0x2, s2;
	[dreg:$0x17] =	wrdreg s18  }
0x15: {  	s7 =	smul.u32 $0x3000, s5;
	s20 =	sshrl.u32 s2, $0x1;
	[dreg:$0x18] =	wrdreg s19  }
0x16: {  	s5 =	smul.u32 $0x3, s5;
	s2 =	ssub.s32 s2, s20;
	[dreg:$0x19] =	wrdreg s21  }
0x17: {  	[dreg:$0x1a] =	wrdreg s22;
	s24 =	simm.s32 $0xB880;
	s8 =	simm.s32 $0xC080  }
0x18: {  	s9 =	simm.s32 $0xC880;
	s10 =	simm.s32 $0xD080;
	[dreg:$0x1c] =	wrdreg s24  }
0x19: {  	s11 =	simm.s32 $0xD880;
	s12 =	simm.s32 $0xE080;
	[dreg:$0x1d] =	wrdreg s8  }
0x1a: {  	s13 =	simm.s32 $0xE880;
	s14 =	simm.s32 $0xF080;
	[dreg:$0x1e] =	wrdreg s9  }
0x1b: {  	s15 =	simm.s32 $0xF880;
	s16 =	simm.s32 $0x10080;
	[dreg:$0x1f] =	wrdreg s10  }
0x1c: {  	s17 =	simm.s32 $0x10880;
	s18 =	simm.s32 $0x11080;
	[smem:$0x7F2] =	sst s11  }
0x1d: {  	s19 =	simm.s32 $0x11880;
	s20 =	simm.s32 $0x12080;
	[smem:$0x7F3] =	sst s12  }
0x1e: {  	s25 =	simm.s32 $0x12880;
	s26 =	simm.s32 $0x13080;
	[smem:$0x7F4] =	sst s13  }
0x1f: {  	s21 =	simm.s32 $0x80;
	s6 =	sadd.s32 s7, s6;
	[smem:$0x7F5] =	sst s14  }
0x20: {  	s4 =	sadd.s32 s4, s5;
	s5 =	simm.s32 $0x2880;
	[smem:$0x7F6] =	sst s15  }
0x21: {  	s7 =	simm.s32 $0x3880;
	s8 =	sadd.s32 $0x500, s1;
	[smem:$0x7F7] =	sst s16  }
0x22: {  	s9 =	sadd.s32 $0x600, s1;
	s10 =	sadd.s32 $0x700, s1;
	[smem:$0x7F8] =	sst s17  }
0x23: {  	s11 =	sadd.s32 $0x800, s1;
	s12 =	sadd.s32 $0x900, s1;
	[smem:$0x7F9] =	sst s18  }
0x24: {  	s13 =	sadd.s32 $0xA00, s1;
	s14 =	sadd.s32 $0xB00, s1;
	[smem:$0x7FA] =	sst s19  }
0x25: {  	s15 =	sadd.s32 $0xC00, s1;
	s16 =	sadd.s32 $0xD00, s1;
	[smem:$0x7FB] =	sst s20  }
0x26: {  	s17 =	sadd.s32 $0xE00, s1;
	s18 =	sadd.s32 $0xF00, s1;
	[smem:$0x7FC] =	sst s25  }
0x27: {  	s19 =	smax.u32 s2, $0x1;
	s20 =	simm.s32 $0x2;
	[smem:$0x7FD] =	sst s26  }
0x28: {  	s24 =	simm.s32 $0x14880;
	s25 =	simm.s32 $0x15080;
	[dreg:$0x4] =	wrdreg s4  }
0x29: {  	s26 =	simm.s32 $0x15880;
	s2 =	simm.s32 $0x1;
	[dreg:$0xa] =	wrdreg s5  }
0x2a: {  	s23 =	sadd.s32 $0x400, s6;
	s6 =	simm.s32 $0x3080;
	[dreg:$0xc] =	wrdreg s7  }
0x2b: {  	v2 =	vlaneseq.u32;
	s4 =	sadd.s32 $0x100, s1;
	s5 =	sadd.s32 $0x200, s1;
	[dreg:$0x5] =	wrdreg s23  }
0x2c: {  	vm0 =	vmmov $0xffff;
	v1 =	vshrl.u32 v2, $0x3;
	s7 =	sadd.s32 $0x400, s1;
	[dreg:$0xb] =	wrdreg s6;
	s23 =	simm.s32 $0xB080  }
0x2d: {  	v0 =	vand.u32 $0x7, v2;
	v2 =	vor.u32 $0x8, v2;
	v1 =	vmul.u32 $0x8, v1;
	s6 =	sadd.s32 $0x300, s1;
	[dreg:$0x1b] =	wrdreg s23;
	s23 =	simm.s32 $0x14080  }
.LBB2_1:
0x2e: {  	s0 =	rddreg [dreg:$0x4]  }
0x2f: {  	[tilespmem:s3], [sflag:$0x2] =	stream.linear.gather [hbm4b:s0+s3], $0x18, $0x38;
	[tilespmem:$0x18080] =	vst v63  }
0x30: {  	_ =	swait.ge [sflag:s20], $0x18  }
0x31: {  	[sflag:s20] =	ssyncset.done $0x0  }
0x32: {  	[sflag:s20] =	ssyncadd.s32 $0xFFFFFFE8  }
0x33: {  	v3 =	vld [tilespmem:$0x0];
	_ =	sdelay $0x4  }
0x34: {  	v4 =	vshll.u32 v3, $0x5  }
0x35: {  	v3 =	vand.u32 $0x7, v3;
	v4 =	vand.u32 $0xFFFFFF00, v4  }
0x36: {  	v3 =	vor.u32 v3, v4  }
0x37: {  	v4 =	vperm.xlane v3, v0;
	_ =	sdelay $0x1  }
0x38: {  	v4 =	vadd.s32 v1, v4;
	_ =	sdelay $0x3  }
0x39: {  	s0 =	rddreg [dreg:$0x6]  }
0x3a: {  	[tilespmem:s21], [sflag:$0x1] =	stream.indirect_vreg.gather [hbm4b:s1+s3], $0x80, v4, vm0, $0xb8;
	[tilespmem:$0x18080] =	vst v63  }
0x3b: {  	s22 =	rddreg [dreg:$0x7]  }
0x3c: {  	[tilespmem:s0], [sflag:$0x1] =	stream.indirect_vreg.gather [hbm4b:s4+s3], $0x80, v4, vm0, $0xb8;
	[tilespmem:$0x18080] =	vst v63  }
0x3d: {  	s0 =	rddreg [dreg:$0x8]  }
0x3e: {  	[tilespmem:s22], [sflag:$0x1] =	stream.indirect_vreg.gather [hbm4b:s5+s3], $0x80, v4, vm0, $0xb8;
	[tilespmem:$0x18080] =	vst v63  }
0x3f: {  	s22 =	rddreg [dreg:$0x9]  }
0x40: {  	[tilespmem:s0], [sflag:$0x1] =	stream.indirect_vreg.gather [hbm4b:s6+s3], $0x80, v4, vm0, $0xb8;
	[tilespmem:$0x18080] =	vst v63  }
0x41: {  	s0 =	rddreg [dreg:$0xa]  }
0x42: {  	[tilespmem:s22], [sflag:$0x1] =	stream.indirect_vreg.gather [hbm4b:s7+s3], $0x80, v4, vm0, $0xb8;
	[tilespmem:$0x18080] =	vst v63  }
0x43: {  	s22 =	rddreg [dreg:$0xb]  }
0x44: {  	[tilespmem:s0], [sflag:$0x1] =	stream.indirect_vreg.gather [hbm4b:s8+s3], $0x80, v4, vm0, $0xb8;
	[tilespmem:$0x18080] =	vst v63  }
0x45: {  	s0 =	rddreg [dreg:$0xc]  }
0x46: {  	[tilespmem:s22], [sflag:$0x1] =	stream.indirect_vreg.gather [hbm4b:s9+s3], $0x80, v4, vm0, $0xb8;
	[tilespmem:$0x18080] =	vst v63  }
0x47: {  	s22 =	rddreg [dreg:$0xd]  }
0x48: {  	[tilespmem:s0], [sflag:$0x1] =	stream.indirect_vreg.gather [hbm4b:s10+s3], $0x80, v4, vm0, $0xb8;
	[tilespmem:$0x18080] =	vst v63  }
0x49: {  	s0 =	rddreg [dreg:$0xe]  }
0x4a: {  	[tilespmem:s22], [sflag:$0x1] =	stream.indirect_vreg.gather [hbm4b:s11+s3], $0x80, v4, vm0, $0xb8;
	[tilespmem:$0x18080] =	vst v63  }
0x4b: {  	s22 =	rddreg [dreg:$0xf]  }
0x4c: {  	[tilespmem:s0], [sflag:$0x1] =	stream.indirect_vreg.gather [hbm4b:s12+s3], $0x80, v4, vm0, $0xb8;
	[tilespmem:$0x18080] =	vst v63  }
0x4d: {  	s0 =	rddreg [dreg:$0x10]  }
0x4e: {  	[tilespmem:s22], [sflag:$0x1] =	stream.indirect_vreg.gather [hbm4b:s13+s3], $0x80, v4, vm0, $0xb8;
	[tilespmem:$0x18080] =	vst v63  }
0x4f: {  	s22 =	rddreg [dreg:$0x11]  }
0x50: {  	[tilespmem:s0], [sflag:$0x1] =	stream.indirect_vreg.gather [hbm4b:s14+s3], $0x80, v4, vm0, $0xb8;
	[tilespmem:$0x18080] =	vst v63  }
0x51: {  	s0 =	rddreg [dreg:$0x12]  }
0x52: {  	[tilespmem:s22], [sflag:$0x1] =	stream.indirect_vreg.gather [hbm4b:s15+s3], $0x80, v4, vm0, $0xb8;
	[tilespmem:$0x18080] =	vst v63  }
0x53: {  	v3 =	vperm.xlane v3, v2;
	s22 =	rddreg [dreg:$0x13]  }
0x54: {  	[tilespmem:s0], [sflag:$0x1] =	stream.indirect_vreg.gather [hbm4b:s16+s3], $0x80, v4, vm0, $0xb8;
	[tilespmem:$0x18080] =	vst v63  }
0x55: {  	v3 =	vadd.s32 v1, v3;
	s0 =	rddreg [dreg:$0x14]  }
0x56: {  	[tilespmem:s22], [sflag:$0x1] =	stream.indirect_vreg.gather [hbm4b:s17+s3], $0x80, v4, vm0, $0xb8;
	[tilespmem:$0x18080] =	vst v63  }
0x57: {  	s22 =	rddreg [dreg:$0x15]  }
0x58: {  	[tilespmem:s0], [sflag:$0x1] =	stream.indirect_vreg.gather [hbm4b:s18+s3], $0x80, v4, vm0, $0xb8;
	[tilespmem:$0x18080] =	vst v63  }
0x59: {  	s0 =	rddreg [dreg:$0x16]  }
0x5a: {  	[tilespmem:s22], [sflag:$0x1] =	stream.indirect_vreg.gather [hbm4b:s1+s3], $0x80, v3, vm0, $0xb8;
	[tilespmem:$0x18080] =	vst v63  }
0x5b: {  	s22 =	rddreg [dreg:$0x17]  }
0x5c: {  	[tilespmem:s0], [sflag:$0x1] =	stream.indirect_vreg.gather [hbm4b:s4+s3], $0x80, v3, vm0, $0xb8;
	[tilespmem:$0x18080] =	vst v63  }
0x5d: {  	s0 =	rddreg [dreg:$0x18]  }
0x5e: {  	[tilespmem:s22], [sflag:$0x1] =	stream.indirect_vreg.gather [hbm4b:s5+s3], $0x80, v3, vm0, $0xb8;
	[tilespmem:$0x18080] =	vst v63  }
0x5f: {  	s22 =	rddreg [dreg:$0x19]  }
0x60: {  	[tilespmem:s0], [sflag:$0x1] =	stream.indirect_vreg.gather [hbm4b:s6+s3], $0x80, v3, vm0, $0xb8;
	[tilespmem:$0x18080] =	vst v63  }
0x61: {  	s0 =	rddreg [dreg:$0x1a]  }
0x62: {  	[tilespmem:s22], [sflag:$0x1] =	stream.indirect_vreg.gather [hbm4b:s7+s3], $0x80, v3, vm0, $0xb8;
	[tilespmem:$0x18080] =	vst v63  }
0x63: {  	s22 =	rddreg [dreg:$0x1b]  }
0x64: {  	[tilespmem:s0], [sflag:$0x1] =	stream.indirect_vreg.gather [hbm4b:s8+s3], $0x80, v3, vm0, $0xb8;
	[tilespmem:$0x18080] =	vst v63  }
0x65: {  	s0 =	rddreg [dreg:$0x1c]  }
0x66: {  	[tilespmem:s22], [sflag:$0x1] =	stream.indirect_vreg.gather [hbm4b:s9+s3], $0x80, v3, vm0, $0xb8;
	[tilespmem:$0x18080] =	vst v63  }
0x67: {  	s22 =	rddreg [dreg:$0x1d]  }
0x68: {  	[tilespmem:s0], [sflag:$0x1] =	stream.indirect_vreg.gather [hbm4b:s10+s3], $0x80, v3, vm0, $0xb8;
	[tilespmem:$0x18080] =	vst v63  }
0x69: {  	s0 =	rddreg [dreg:$0x1e]  }
0x6a: {  	[tilespmem:s22], [sflag:$0x1] =	stream.indirect_vreg.gather [hbm4b:s11+s3], $0x80, v3, vm0, $0xb8;
	[tilespmem:$0x18080] =	vst v63  }
0x6b: {  	s22 =	rddreg [dreg:$0x1f]  }
0x6c: {  	[tilespmem:s0], [sflag:$0x1] =	stream.indirect_vreg.gather [hbm4b:s12+s3], $0x80, v3, vm0, $0xb8;
	[tilespmem:$0x18080] =	vst v63  }
0x6d: {  	s0 =	sld [smem:$0x7F2]  }
0x6e: {  	[tilespmem:s22], [sflag:$0x1] =	stream.indirect_vreg.gather [hbm4b:s13+s3], $0x80, v3, vm0, $0xb8;
	[tilespmem:$0x18080] =	vst v63  }
0x6f: {  	s22 =	sld [smem:$0x7F3]  }
0x70: {  	[tilespmem:s0], [sflag:$0x1] =	stream.indirect_vreg.gather [hbm4b:s14+s3], $0x80, v3, vm0, $0xb8;
	[tilespmem:$0x18080] =	vst v63  }
0x71: {  	s0 =	sld [smem:$0x7F4]  }
0x72: {  	[tilespmem:s22], [sflag:$0x1] =	stream.indirect_vreg.gather [hbm4b:s15+s3], $0x80, v3, vm0, $0xb8;
	[tilespmem:$0x18080] =	vst v63  }
0x73: {  	s22 =	sld [smem:$0x7F5]  }
0x74: {  	[tilespmem:s0], [sflag:$0x1] =	stream.indirect_vreg.gather [hbm4b:s16+s3], $0x80, v3, vm0, $0xb8;
	[tilespmem:$0x18080] =	vst v63  }
0x75: {  	s0 =	sld [smem:$0x7F6]  }
0x76: {  	[tilespmem:s22], [sflag:$0x1] =	stream.indirect_vreg.gather [hbm4b:s17+s3], $0x80, v3, vm0, $0xb8;
	[tilespmem:$0x18080] =	vst v63  }
0x77: {  	_ = 	snop  }
0x78: {  	[tilespmem:s0], [sflag:$0x1] =	stream.indirect_vreg.gather [hbm4b:s18+s3], $0x80, v3, vm0, $0xb8;
	[tilespmem:$0x18080] =	vst v63  }
0x79: {  	v3 =	vld.msk [tilespmem:$0x10], $0xff;
	_ =	sdelay $0x4  }
0x7a: {  	v63 =	vshll.u32 v3, $0x5  }
0x7b: {  	v3 =	vand.u32 $0x7, v3;
	v4 =	vand.u32 $0xFFFFFF00, v63  }
0x7c: {  	v3 =	vor.u32 v3, v4  }
0x7d: {  	v3 =	vperm.xlane v3, v0;
	_ =	sdelay $0x1  }
0x7e: {  	v3 =	vadd.s32 v1, v3;
	_ =	sdelay $0x1  }
0x7f: {  	s0 =	sld [smem:$0x7F7];
	_ =	sdelay $0x1  }
0x80: {  	s22 =	sld [smem:$0x7F8]  }
0x81: {  	[tilespmem:s0], [sflag:$0x1] =	stream.indirect_vreg.gather [hbm4b:s1+s3], $0x80, v3, vm0, $0xb8;
	[tilespmem:$0x18080] =	vst v63  }
0x82: {  	s0 =	sld [smem:$0x7F9]  }
0x83: {  	[tilespmem:s22], [sflag:$0x1] =	stream.indirect_vreg.gather [hbm4b:s4+s3], $0x80, v3, vm0, $0xb8;
	[tilespmem:$0x18080] =	vst v63  }
0x84: {  	s22 =	sld [smem:$0x7FA]  }
0x85: {  	[tilespmem:s0], [sflag:$0x1] =	stream.indirect_vreg.gather [hbm4b:s5+s3], $0x80, v3, vm0, $0xb8;
	[tilespmem:$0x18080] =	vst v63  }
0x86: {  	s0 =	sld [smem:$0x7FB]  }
0x87: {  	[tilespmem:s22], [sflag:$0x1] =	stream.indirect_vreg.gather [hbm4b:s6+s3], $0x80, v3, vm0, $0xb8;
	[tilespmem:$0x18080] =	vst v63  }
0x88: {  	s22 =	sld [smem:$0x7FC]  }
0x89: {  	[tilespmem:s0], [sflag:$0x1] =	stream.indirect_vreg.gather [hbm4b:s7+s3], $0x80, v3, vm0, $0xb8;
	[tilespmem:$0x18080] =	vst v63  }
0x8a: {  	s0 =	sld [smem:$0x7FD]  }
0x8b: {  	[tilespmem:s22], [sflag:$0x1] =	stream.indirect_vreg.gather [hbm4b:s8+s3], $0x80, v3, vm0, $0xb8;
	[tilespmem:$0x18080] =	vst v63  }
0x8c: {  	_ = 	snop  }
0x8d: {  	[tilespmem:s0], [sflag:$0x1] =	stream.indirect_vreg.gather [hbm4b:s9+s3], $0x80, v3, vm0, $0xb8;
	[tilespmem:$0x18080] =	vst v63  }
0x8e: {  	s22 =	simm.s32 $0x13880  }
0x8f: {  	[tilespmem:s22], [sflag:$0x1] =	stream.indirect_vreg.gather [hbm4b:s10+s3], $0x80, v3, vm0, $0xb8;
	[tilespmem:$0x18080] =	vst v63  }
0x90: {  	_ = 	snop  }
0x91: {  	[tilespmem:s23], [sflag:$0x1] =	stream.indirect_vreg.gather [hbm4b:s11+s3], $0x80, v3, vm0, $0xb8;
	[tilespmem:$0x18080] =	vst v63  }
0x92: {  	_ = 	snop  }
0x93: {  	[tilespmem:s24], [sflag:$0x1] =	stream.indirect_vreg.gather [hbm4b:s12+s3], $0x80, v3, vm0, $0xb8;
	[tilespmem:$0x18080] =	vst v63  }
0x94: {  	_ = 	snop  }
0x95: {  	[tilespmem:s25], [sflag:$0x1] =	stream.indirect_vreg.gather [hbm4b:s13+s3], $0x80, v3, vm0, $0xb8;
	[tilespmem:$0x18080] =	vst v63  }
0x96: {  	_ = 	snop  }
0x97: {  	[tilespmem:s26], [sflag:$0x1] =	stream.indirect_vreg.gather [hbm4b:s14+s3], $0x80, v3, vm0, $0xb8;
	[tilespmem:$0x18080] =	vst v63  }
0x98: {  	_ = 	snop  }
0x99: {  	[tilespmem:s28], [sflag:$0x1] =	stream.indirect_vreg.gather [hbm4b:s15+s3], $0x80, v3, vm0, $0xb8;
	[tilespmem:$0x18080] =	vst v63  }
0x9a: {  	_ = 	snop  }
0x9b: {  	[tilespmem:s29], [sflag:$0x1] =	stream.indirect_vreg.gather [hbm4b:s16+s3], $0x80, v3, vm0, $0xb8;
	[tilespmem:$0x18080] =	vst v63  }
0x9c: {  	_ = 	snop  }
0x9d: {  	[tilespmem:s30], [sflag:$0x1] =	stream.indirect_vreg.gather [hbm4b:s17+s3], $0x80, v3, vm0, $0xb8;
	[tilespmem:$0x18080] =	vst v63  }
0x9e: {  	_ = 	snop  }
0x9f: {  	[tilespmem:s31], [sflag:$0x1] =	stream.indirect_vreg.gather [hbm4b:s18+s3], $0x80, v3, vm0, $0xb8;
	[tilespmem:$0x18080] =	vst v63  }
0xa0: {  	_ =	swait.ge [sflag:s2], $0x18000  }
0xa1: {  	p0 =	sne.s32 s19, $0x1;
	[sflag:s2] =	ssyncset.done $0x0  }
.Ltmp0:
0xa2: {  	s22 =	rddreg [dreg:$0x5];
	[sflag:s2] =	ssyncadd.s32 $0xFFFE8000;
	(pc) =	sbr.rel @p0 .LBB2_1-.Ltmp0, $4  }
0xa3: {  	[hbm4b:s22+s3] =	stream.linear.scatter [tilespmem:s21], [sflag:$0x2], $0x18000, $0x38;
	[tilespmem:$0x18080] =	vst v63  }
0xa4: {  	_ =	swait.ge [sflag:s20], $0x18000  }
0xa5: {  	[sflag:s20] =	ssyncset.done $0x0  }
0xa6: {  	s19 =	sadd.s32 $0xFFFFFFFF, s19;
	[sflag:s20] =	ssyncadd.s32 $0xFFFE8000  }
0xa7: {  	_ =	sfence.sel $0x180000  }
0xa8: {  	[bflag:$0x0] =	sbarrier.arrive $0xFFFF  }
0xa9: {  	_ =	strace $0x90000047  }
0xaa: {  	s0 =	stileid.u32;
	[bflag:$0x2] =	sbarrier.arrive $0xFFFF  }
0xab: {  	p0 =	sne.s32 s0, $0x0;
	s0 =	rddreg [dreg:$0x3]  }
0xac: {  	s0 =	sadd.s32 @!p0 $0x100000, s0  }
0xad: {  	[sflag:s0] =	ssyncadd.tile.s32 @!p0 $0x1;
	_ =	shalt  }
.Lfunc_end2:
_tile_overlayer_lowered:
.L_overlay_start_2:
0xae: {  	(tag) =	ssettag $0x2  }
0xaf: {  	s0 =	rddreg [dreg:$0x0];
	s2 =	stileid.u32  }
0xb0: {  	s1 =	rddreg [dreg:$0x1];
	p0 =	sne.s32 s2, $0x0  }
0xb1: {  	s3 =	rddreg [dreg:$0x2];
	[bflag:$0x3] =	sbarrier.arrive $0xFFFF;
	s2 =	simm.s32 @!p0 $0x1C02  }
0xb2: {  	[timem:s3], [sflag:s2] =	dma.local @!p0 [hbm:s0], s1  }
0xb3: {  	s0 =	simm.s32 @!p0 $0x2  }
0xb4: {  	_ =	swait.ge @!p0 [sflag:s0], s1  }
0xb5: {  	s1 =	ssub.s32 @!p0 $0x0, s1;
	[sflag:s0] =	ssyncset.done @!p0 $0x0  }
0xb6: {  	[sflag:s0] =	ssyncadd.s32 @!p0 s1  }
0xb7: {  	[bflag:$0x3] =	sbarrier.arrive $0xFFFF  }
0xb8: {  	_ =	shalt  }

</sc_bundles>
